<compile_context>
chip_gen: v7x
topology: tpu7x:2x2x1
jax: 0.10.2.dev20260603
libtpu: 0.0.44.dev20260713+nightly
codegen_flags: <defaults>
</compile_context>

<pallas_src>
import functools

import jax
import jax.numpy as jnp
from jax import lax
from jax.experimental import pallas as pl
from jax.experimental.pallas import tpu as pltpu
from jax.experimental.pallas import tpu_sc as plsc

B = 32
N = 100000
A = 8
NB = 5120
NBLK = (N + NB - 1) // NB
NPAD = NBLK * NB
EXPLOIT = 0.9
NEG_INF = float("-inf")
BIG_I32 = 2**30


def _tc_body(qm_ref, qs_ref, eps_ref, lp_ref, m_out_ref, idx_out_ref,
             u_sc, m_sc, s_sc, i_sc):
    ph = pl.program_id(0)
    j = pl.program_id(1)
    off = pl.multiple_of(j * NB, NB)

    @pl.when(ph == 0)
    def _phase0():
        qs = qs_ref[...]
        u = EXPLOIT * (qm_ref[...] + qs * eps_ref[...]) + (1.0 - EXPLOIT) * qs
        u_sc[:, pl.ds(off, NB)] = u
        lane = lax.broadcasted_iota(jnp.int32, (B, NB), 1) + off
        valid = lane < N
        um = jnp.where(valid, u, NEG_INF)
        bm = jnp.max(um, axis=1, keepdims=True)
        bidx = jnp.min(jnp.where(um == bm, lane, BIG_I32), axis=1,
                       keepdims=True)

        @pl.when(j == 0)
        def _():
            m_sc[...] = bm
            s_sc[...] = jnp.sum(jnp.where(valid, jnp.exp(u - bm), 0.0),
                                axis=1, keepdims=True)
            i_sc[...] = bidx

        @pl.when(j > 0)
        def _():
            m_old = m_sc[...]
            m_new = jnp.maximum(m_old, bm)
            s_sc[...] = (s_sc[...] * jnp.exp(m_old - m_new)
                         + jnp.sum(jnp.where(valid, jnp.exp(u - m_new), 0.0),
                                   axis=1, keepdims=True))
            i_sc[...] = jnp.where(bm > m_old, bidx, i_sc[...])
            m_sc[...] = m_new

        @pl.when(j == NBLK - 1)
        def _():
            m_out_ref[...] = m_sc[...]
            idx_out_ref[...] = jnp.broadcast_to(i_sc[...], (B, 128))

    @pl.when(ph == 1)
    def _phase1():
        lse = m_sc[...] + jnp.log(s_sc[...])
        lp_ref[...] = u_sc[:, pl.ds(off, NB)] - lse


def _tc_call(q_mean, q_std, eps, interpret=False):
    in_spec = pl.BlockSpec((B, NB), lambda ph, j: (0, jnp.where(ph == 0, j, 0)))
    return pl.pallas_call(
        _tc_body,
        grid=(2, NBLK),
        in_specs=[in_spec, in_spec, in_spec],
        out_specs=[
            pl.BlockSpec((B, NB), lambda ph, j: (0, jnp.where(ph == 0, 0, j))),
            pl.BlockSpec((B, 1), lambda ph, j: (0, 0)),
            pl.BlockSpec((B, 128), lambda ph, j: (0, 0)),
        ],
        out_shape=[
            jax.ShapeDtypeStruct((B, N), jnp.float32),
            jax.ShapeDtypeStruct((B, 1), jnp.float32),
            jax.ShapeDtypeStruct((B, 128), jnp.int32),
        ],
        scratch_shapes=[
            pltpu.VMEM((B, NPAD), jnp.float32),
            pltpu.VMEM((B, 1), jnp.float32),
            pltpu.VMEM((B, 1), jnp.float32),
            pltpu.VMEM((B, 1), jnp.int32),
        ],
        compiler_params=pltpu.CompilerParams(
            dimension_semantics=("arbitrary", "arbitrary")),
        interpret=interpret,
    )(q_mean, q_std, eps)


@functools.cache
def _sc_gather_fn():
    mesh = plsc.VectorSubcoreMesh(core_axis_name="c", subcore_axis_name="s")

    @functools.partial(
        pl.kernel,
        out_type=jax.ShapeDtypeStruct((B, 128), jnp.float32),
        mesh=mesh,
        scratch_types=[
            pltpu.VMEM((128,), jnp.int32),
            pltpu.VMEM((1,), jnp.int32),
            pltpu.VMEM((1, 128), jnp.float32),
            pltpu.VMEM((128,), jnp.float32),
            pltpu.SemaphoreType.DMA,
        ],
        compiler_params=pltpu.CompilerParams(needs_layout_passes=False),
    )
    def _sc_gather(table_hbm, idx_hbm, out_hbm, idx_v, rowidx_v, row_v,
                   out_v, sem):
        wid = lax.axis_index("s") * 2 + lax.axis_index("c")

        @pl.when(wid < B)
        def _():
            pltpu.sync_copy(idx_hbm.at[wid], idx_v)
            vec = idx_v[pl.ds(0, 16)]
            lanes = lax.iota(jnp.int32, 16)
            row128 = wid * (N * A // 128) + lax.shift_right_logical(vec, 4)
            plsc.store_scatter(rowidx_v, [lanes], row128, mask=lanes < 1)
            pltpu.async_copy(table_hbm.at[rowidx_v], row_v, sem).wait()
            col = (vec & 15) * A + lanes
            vals = plsc.load_gather(row_v, [lanes * 0, col])
            plsc.store_scatter(out_v, [lanes], vals, mask=lanes < A)
            pltpu.sync_copy(out_v, out_hbm.at[wid])

    return _sc_gather


def kernel(q_mean, q_std, eps, action):
    log_probs, m, idx128 = _tc_call(q_mean, q_std, eps)
    table = action.reshape(B * N * A // 128, 128)
    best_action = _sc_gather_fn()(table, idx128)[:, :A]
    return log_probs, best_action, m.reshape(B)

# --- scband reference (transcript-rebuilt; emitter-appended) ---
"""Pipeline reference for scband-categorical-critic-actor-6906307412668 (READ-ONLY COPY).

The authoritative reference and input builder live on the scoring server;
editing this copy changes nothing except your own understanding.
"""

import jax, jax.numpy as jnp
import numpy as np

EXPLOIT_SCHEDULE = 0.9  # Utils.schedule(const, step) -> const
TEMP = 1.0


def setup_inputs(seed: int = 0) -> dict:
    key = jax.random.key(seed)
    k1, k2, k3, k4 = jax.random.split(key, 4)
    B, N, A = 32, 100000, 8
    return {
        "q_mean": jax.random.normal(k1, (B, N), dtype=jnp.float32),
        "q_std": jax.random.uniform(k2, (B, N), dtype=jnp.float32, minval=0.1, maxval=1.0),
        "eps": jax.random.normal(k3, (B, N), dtype=jnp.float32),
        "action": jax.random.normal(k4, (B, N, A), dtype=jnp.float32),
    }


def reference(q_mean, q_std, eps, action):
    # Q.rsample() for a Normal critic ensemble: mean + std * eps (reparameterized)
    q = q_mean + q_std * eps
    exploit_factor = EXPLOIT_SCHEDULE
    # u = exploit * q + (1 - exploit) * Q.stddev
    u = exploit_factor * q + (1.0 - exploit_factor) * q_std
    # logits = u - u.max(dim=-1, keepdim=True)
    u_max = jnp.max(u, axis=-1, keepdims=True)
    logits = u - u_max
    # Categorical(logits=logits / temp): normalized log-probabilities
    scaled = logits / TEMP
    log_probs = scaled - jax.nn.logsumexp(scaled, axis=-1, keepdims=True)
    # best_eps, best_ind = torch.max(u, -1)
    best_eps = jnp.max(u, axis=-1)
    best_ind = jnp.argmax(u, axis=-1)
    # Utils.gather_indices(Q.action, best_ind, dim=1)
    best_action = jnp.take_along_axis(action, best_ind[:, None, None], axis=1)[:, 0, :]
    return (log_probs, best_action, best_eps)

if __name__ == "__main__":
    import jax
    _d = setup_inputs()
    print(jax.jit(kernel)(*tuple(_d.values())))

</pallas_src>

<mosaic_0001>
#map = affine_map<(d0, d1) -> (0, 0)>
module attributes {stable_mosaic.version = 14 : i64} {
  func.func @_sc_gather(%arg0: i32, %arg1: i32, %arg2: memref<200000x128xf32, #tpu.memory_space<hbm>>, %arg3: memref<32x128xi32, #tpu.memory_space<hbm>>, %arg4: memref<32x128xf32, #tpu.memory_space<hbm>>, %arg5: memref<128xi32, #tpu.memory_space<vmem>>, %arg6: memref<1xi32, #tpu.memory_space<vmem>>, %arg7: memref<1x128xf32, #tpu.memory_space<vmem>>, %arg8: memref<128xf32, #tpu.memory_space<vmem>>, %arg9: memref<!tpu.dma_semaphore, #tpu.memory_space<semaphore_mem>>) attributes {dimension_semantics = [#tpu.dimension_semantics<core_parallel>, #tpu.dimension_semantics<subcore_parallel>], iteration_bounds = array<i64: 2, 16>, scalar_prefetch = 0 : i64, scratch_operands = 5 : i64, tpu.core_type = #tpu.core_type<sc_vector_subcore>, window_params = [{transform_indices = #map}, {transform_indices = #map}, {transform_indices = #map}]} {
    %mul3A = arith.constant 2 : i32
    %mul3A_0 = arith.muli %arg1, %mul3A : i32
    %add3A = arith.addi %mul3A_0, %arg0 : i32
    %lt3A = arith.constant 32 : i32
    %lt3A_1 = arith.cmpi slt, %add3A, %lt3A : i32
    %convert_element_type3A = arith.extui %lt3A_1 : i1 to i32
    %cond3A = arith.constant 0 : i32
    %cond3A_2 = arith.cmpi ne, %convert_element_type3A, %cond3A : i32
    scf.if %cond3A_2 {
      "tpu.region"() ({
        %run_scoped3A = tpu.sem_alloc : memref<!tpu.dma_semaphore, #tpu.memory_space<semaphore_mem>>
        %dma_start3A_29 = arith.constant 0 : i32
        %dma_start3A_30 = tpu.memref_slice %arg3[%add3A, %dma_start3A_29] : memref<32x128xi32, #tpu.memory_space<hbm>> -> memref<1x128xi32, #tpu.memory_space<hbm>>
        %dma_start3A_31 = tpu.memref_squeeze %dma_start3A_30 : memref<1x128xi32, #tpu.memory_space<hbm>> -> memref<128xi32, #tpu.memory_space<hbm>>
        %dma_start3A_32 = arith.constant 0 : i32
        %dma_start3A_33 = tpu.memref_slice %arg3[%add3A, %dma_start3A_32] : memref<32x128xi32, #tpu.memory_space<hbm>> -> memref<1x128xi32, #tpu.memory_space<hbm>>
        %dma_start3A_34 = tpu.memref_squeeze %dma_start3A_33 : memref<1x128xi32, #tpu.memory_space<hbm>> -> memref<128xi32, #tpu.memory_space<hbm>>
        tpu.enqueue_dma source(%dma_start3A_34 : memref<128xi32, #tpu.memory_space<hbm>>) target(%arg5 : memref<128xi32, #tpu.memory_space<vmem>>) target_semaphore(%run_scoped3A : memref<!tpu.dma_semaphore, #tpu.memory_space<semaphore_mem>>)
        %dma_wait3A_35 = arith.constant 0 : i32
        %dma_wait3A_36 = tpu.memref_slice %arg3[%add3A, %dma_wait3A_35] : memref<32x128xi32, #tpu.memory_space<hbm>> -> memref<1x128xi32, #tpu.memory_space<hbm>>
        %dma_wait3A_37 = tpu.memref_squeeze %dma_wait3A_36 : memref<1x128xi32, #tpu.memory_space<hbm>> -> memref<128xi32, #tpu.memory_space<hbm>>
        %dma_wait3A_38 = arith.constant 0 : i32
        %dma_wait3A_39 = tpu.memref_slice %arg3[%add3A, %dma_wait3A_38] : memref<32x128xi32, #tpu.memory_space<hbm>> -> memref<1x128xi32, #tpu.memory_space<hbm>>
        %dma_wait3A_40 = tpu.memref_squeeze %dma_wait3A_39 : memref<1x128xi32, #tpu.memory_space<hbm>> -> memref<128xi32, #tpu.memory_space<hbm>>
        tpu.wait_dma2 semaphore(%run_scoped3A : memref<!tpu.dma_semaphore, #tpu.memory_space<semaphore_mem>>) src(%dma_wait3A_40 : memref<128xi32, #tpu.memory_space<hbm>>) dst(%arg5 : memref<128xi32, #tpu.memory_space<vmem>>)
        tpu.yield
      }) : () -> ()
      %get3A = arith.constant 0 : index
      %get3A_3 = tpu.vector_load %arg5[%get3A] {strides = array<i32>} : memref<128xi32, #tpu.memory_space<vmem>>, vector<16xi32>,
      %iota3A = tpu.iota {dimensions = array<i32: 0>} : vector<16xi32>
      %mul3A_4 = arith.constant 6250 : i32
      %mul3A_5 = arith.muli %add3A, %mul3A_4 : i32
      %shift_right_logical3A = arith.constant 4 : i32
      %shift_right_logical3A_6 = vector.broadcast %shift_right_logical3A : i32 to vector<16xi32>
      %shift_right_logical3A_7 = arith.shrui %get3A_3, %shift_right_logical3A_6 : vector<16xi32>
      %add3A_8 = vector.broadcast %mul3A_5 : i32 to vector<16xi32>
      %add3A_9 = arith.addi %add3A_8, %shift_right_logical3A_7 : vector<16xi32>
      %lt3A_10 = arith.constant 1 : i32
      %lt3A_11 = vector.broadcast %lt3A_10 : i32 to vector<16xi32>
      %lt3A_12 = arith.cmpi slt, %iota3A, %lt3A_11 : vector<16xi32>
      tpu.vector_store_idx %arg6[%iota3A], %add3A_9 masked %lt3A_12 : memref<1xi32, #tpu.memory_space<vmem>>[vector<16xi32>], vector<16xi32>, vector<16xi1>
      %dma_start3A = arith.constant 0 : i32
      %dma_start3A_13 = arith.constant 0 : i32
      %dma_start3A_14 = tpu.memref_slice %arg2[%dma_start3A, %dma_start3A_13] : memref<200000x128xf32, #tpu.memory_space<hbm>> -> memref<200000x128xf32, #tpu.memory_space<hbm>>
      tpu.enqueue_indirect_dma source(%dma_start3A_14 : memref<200000x128xf32, #tpu.memory_space<hbm>>) target(%arg7 : memref<1x128xf32, #tpu.memory_space<vmem>>) offsets(%arg6 : memref<1xi32, #tpu.memory_space<vmem>>) semaphore(%arg9 : memref<!tpu.dma_semaphore, #tpu.memory_space<semaphore_mem>>)
      %dma_wait3A = arith.constant 0 : i32
      %dma_wait3A_15 = arith.constant 0 : i32
      %dma_wait3A_16 = tpu.memref_slice %arg2[%dma_wait3A, %dma_wait3A_15] : memref<200000x128xf32, #tpu.memory_space<hbm>> -> memref<200000x128xf32, #tpu.memory_space<hbm>>
      tpu.wait_indirect_dma semaphore(%arg9 : memref<!tpu.dma_semaphore, #tpu.memory_space<semaphore_mem>>) src(%dma_wait3A_16 : memref<200000x128xf32, #tpu.memory_space<hbm>>) dst(%arg7 : memref<1x128xf32, #tpu.memory_space<vmem>>)
      %and3A = arith.constant 15 : i32
      %and3A_17 = vector.broadcast %and3A : i32 to vector<16xi32>
      %and3A_18 = arith.andi %get3A_3, %and3A_17 : vector<16xi32>
      %mul3A_19 = arith.constant 8 : i32
      %mul3A_20 = vector.broadcast %mul3A_19 : i32 to vector<16xi32>
      %mul3A_21 = arith.muli %and3A_18, %mul3A_20 : vector<16xi32>
      %add3A_22 = arith.addi %mul3A_21, %iota3A : vector<16xi32>
      %mul3A_23 = arith.constant 0 : i32
      %mul3A_24 = vector.broadcast %mul3A_23 : i32 to vector<16xi32>
      %mul3A_25 = arith.muli %iota3A, %mul3A_24 : vector<16xi32>
      %gather3A = tpu.vector_load_idx %arg7[%mul3A_25, %add3A_22] : memref<1x128xf32, #tpu.memory_space<vmem>>[vector<16xi32>, vector<16xi32>], vector<16xf32>,
      %lt3A_26 = arith.constant 8 : i32
      %lt3A_27 = vector.broadcast %lt3A_26 : i32 to vector<16xi32>
      %lt3A_28 = arith.cmpi slt, %iota3A, %lt3A_27 : vector<16xi32>
      tpu.vector_store_idx %arg8[%iota3A], %gather3A masked %lt3A_28 : memref<128xf32, #tpu.memory_space<vmem>>[vector<16xi32>], vector<16xf32>, vector<16xi1>
      "tpu.region"() ({
        %run_scoped3A = tpu.sem_alloc : memref<!tpu.dma_semaphore, #tpu.memory_space<semaphore_mem>>
        %dma_start3A_29 = arith.constant 0 : i32
        %dma_start3A_30 = tpu.memref_slice %arg4[%add3A, %dma_start3A_29] : memref<32x128xf32, #tpu.memory_space<hbm>> -> memref<1x128xf32, #tpu.memory_space<hbm>>
        %dma_start3A_31 = tpu.memref_squeeze %dma_start3A_30 : memref<1x128xf32, #tpu.memory_space<hbm>> -> memref<128xf32, #tpu.memory_space<hbm>>
        %dma_start3A_32 = arith.constant 0 : i32
        %dma_start3A_33 = tpu.memref_slice %arg4[%add3A, %dma_start3A_32] : memref<32x128xf32, #tpu.memory_space<hbm>> -> memref<1x128xf32, #tpu.memory_space<hbm>>
        %dma_start3A_34 = tpu.memref_squeeze %dma_start3A_33 : memref<1x128xf32, #tpu.memory_space<hbm>> -> memref<128xf32, #tpu.memory_space<hbm>>
        tpu.enqueue_dma source(%arg8 : memref<128xf32, #tpu.memory_space<vmem>>) target(%dma_start3A_34 : memref<128xf32, #tpu.memory_space<hbm>>) target_semaphore(%run_scoped3A : memref<!tpu.dma_semaphore, #tpu.memory_space<semaphore_mem>>)
        %dma_wait3A_35 = arith.constant 0 : i32
        %dma_wait3A_36 = tpu.memref_slice %arg4[%add3A, %dma_wait3A_35] : memref<32x128xf32, #tpu.memory_space<hbm>> -> memref<1x128xf32, #tpu.memory_space<hbm>>
        %dma_wait3A_37 = tpu.memref_squeeze %dma_wait3A_36 : memref<1x128xf32, #tpu.memory_space<hbm>> -> memref<128xf32, #tpu.memory_space<hbm>>
        %dma_wait3A_38 = arith.constant 0 : i32
        %dma_wait3A_39 = tpu.memref_slice %arg4[%add3A, %dma_wait3A_38] : memref<32x128xf32, #tpu.memory_space<hbm>> -> memref<1x128xf32, #tpu.memory_space<hbm>>
        %dma_wait3A_40 = tpu.memref_squeeze %dma_wait3A_39 : memref<1x128xf32, #tpu.memory_space<hbm>> -> memref<128xf32, #tpu.memory_space<hbm>>
        tpu.wait_dma2 semaphore(%run_scoped3A : memref<!tpu.dma_semaphore, #tpu.memory_space<semaphore_mem>>) src(%arg8 : memref<128xf32, #tpu.memory_space<vmem>>) dst(%dma_wait3A_40 : memref<128xf32, #tpu.memory_space<hbm>>)
        tpu.yield
      }) : () -> ()
    } else {
    }
    return
  }
}

module attributes {stable_mosaic.version = 14 : i64} {
  func.func @_tc_body(%arg0: i32, %arg1: i32, %arg2: memref<32x5120xf32, #tpu.memory_space<vmem>>, %arg3: memref<32x5120xf32, #tpu.memory_space<vmem>>, %arg4: memref<32x5120xf32, #tpu.memory_space<vmem>>, %arg5: memref<32x5120xf32, #tpu.memory_space<vmem>>, %arg6: memref<32x1xf32, #tpu.memory_space<vmem>>, %arg7: memref<32x128xi32, #tpu.memory_space<vmem>>, %arg8: memref<32x102400xf32, #tpu.memory_space<vmem>>, %arg9: memref<32x1xf32, #tpu.memory_space<vmem>>, %arg10: memref<32x1xf32, #tpu.memory_space<vmem>>, %arg11: memref<32x1xi32, #tpu.memory_space<vmem>>) attributes {dimension_semantics = [#tpu.dimension_semantics<arbitrary>, #tpu.dimension_semantics<arbitrary>], iteration_bounds = array<i64: 2, 20>, scalar_prefetch = 0 : i64, scratch_operands = 4 : i64, tpu.core_type = #tpu.core_type<tc>, window_params = [{transform_indices = @transform_0, window_bounds = array<i64: 32, 5120>}, {transform_indices = @transform_1, window_bounds = array<i64: 32, 5120>}, {transform_indices = @transform_2, window_bounds = array<i64: 32, 5120>}, {transform_indices = @transform_3, window_bounds = array<i64: 32, 5120>}, {pipeline_mode = #tpu.pipeline_mode<synchronous>, transform_indices = @transform_4, window_bounds = array<i64: 32, 1>}, {pipeline_mode = #tpu.pipeline_mode<synchronous>, transform_indices = @transform_5, window_bounds = array<i64: 32, 128>}]} {
    %mul3A = arith.constant 5120 : i32
    %mul3A_0 = arith.muli %arg1, %mul3A : i32
    %multiple_of3A = tpu.assume_multiple %mul3A_0, 5120 : i32
    %eq3A = arith.constant 0 : i32
    %eq3A_1 = arith.cmpi eq, %arg0, %eq3A : i32
    %convert_element_type3A = arith.extui %eq3A_1 : i1 to i32
    %cond3A = arith.constant 0 : i32
    %cond3A_2 = arith.cmpi ne, %convert_element_type3A, %cond3A : i32
    scf.if %cond3A_2 {
      %get3A = arith.constant 0 : index
      %get3A_8 = arith.constant 0 : index
      %get3A_9 = vector.load %arg3[%get3A, %get3A_8] : memref<32x5120xf32, #tpu.memory_space<vmem>>, vector<32x5120xf32>
      %get3A_10 = arith.constant 0 : index
      %get3A_11 = arith.constant 0 : index
      %get3A_12 = vector.load %arg2[%get3A_10, %get3A_11] : memref<32x5120xf32, #tpu.memory_space<vmem>>, vector<32x5120xf32>
      %get3A_13 = arith.constant 0 : index
      %get3A_14 = arith.constant 0 : index
      %get3A_15 = vector.load %arg4[%get3A_13, %get3A_14] : memref<32x5120xf32, #tpu.memory_space<vmem>>, vector<32x5120xf32>
      %mul3A_16 = arith.mulf %get3A_9, %get3A_15 : vector<32x5120xf32>
      %add3A = arith.addf %get3A_12, %mul3A_16 : vector<32x5120xf32>
      %mul3A_17 = arith.constant 0.899999976 : f32
      %mul3A_18 = vector.broadcast %mul3A_17 : f32 to vector<32x5120xf32>
      %mul3A_19 = arith.mulf %mul3A_18, %add3A : vector<32x5120xf32>
      %mul3A_20 = arith.constant 1.000000e-01 : f32
      %mul3A_21 = vector.broadcast %mul3A_20 : f32 to vector<32x5120xf32>
      %mul3A_22 = arith.mulf %mul3A_21, %get3A_9 : vector<32x5120xf32>
      %add3A_23 = arith.addf %mul3A_19, %mul3A_22 : vector<32x5120xf32>
      %swap3A = arith.constant 0 : index
      %swap3A_24 = arith.index_cast %multiple_of3A : i32 to index
      %swap3A_25 = vector.load %arg8[%swap3A, %swap3A_24] : memref<32x102400xf32, #tpu.memory_space<vmem>>, vector<32x5120xf32>
      tpu.vector_store %arg8[%swap3A, %swap3A_24], %add3A_23 {strides = array<i32>} : memref<32x102400xf32, #tpu.memory_space<vmem>>, vector<32x5120xf32>,
      %iota3A = tpu.iota {dimensions = array<i32: 1>} : vector<32x5120xi32>
      %add3A_26 = vector.broadcast %multiple_of3A : i32 to vector<32x5120xi32>
      %add3A_27 = arith.addi %iota3A, %add3A_26 : vector<32x5120xi32>
      %lt3A = arith.constant 100000 : i32
      %lt3A_28 = vector.broadcast %lt3A : i32 to vector<32x5120xi32>
      %lt3A_29 = arith.cmpi slt, %add3A_27, %lt3A_28 : vector<32x5120xi32>
      %jit3A = arith.constant 0xFF800000 : f32
      %broadcast_in_dim3A = vector.broadcast %jit3A : f32 to vector<32x5120xf32>
      %select_n3A = arith.select %lt3A_29, %add3A_23, %broadcast_in_dim3A : vector<32x5120xi1>, vector<32x5120xf32>
      %reduce_max3A = arith.constant dense<0xFF800000> : vector<32xf32>
      %reduce_max3A_30 = vector.multi_reduction <maximumf>, %select_n3A, %reduce_max3A [1] : vector<32x5120xf32> to vector<32xf32>
      %broadcast_in_dim3A_31 = vector.shape_cast %reduce_max3A_30 : vector<32xf32> to vector<32x1xf32>
      %eq3A_32 = vector.broadcast %broadcast_in_dim3A_31 : vector<32x1xf32> to vector<32x5120xf32>
      %eq3A_33 = arith.cmpf oeq, %select_n3A, %eq3A_32 : vector<32x5120xf32>
      %jit3A_34 = arith.constant 1073741824 : i32
      %broadcast_in_dim3A_35 = vector.broadcast %jit3A_34 : i32 to vector<32x5120xi32>
      %select_n3A_36 = arith.select %eq3A_33, %add3A_27, %broadcast_in_dim3A_35 : vector<32x5120xi1>, vector<32x5120xi32>
      %reduce_min3A = arith.constant dense<2147483647> : vector<32xi32>
      %reduce_min3A_37 = vector.multi_reduction <minsi>, %select_n3A_36, %reduce_min3A [1] : vector<32x5120xi32> to vector<32xi32>
      %broadcast_in_dim3A_38 = vector.shape_cast %reduce_min3A_37 : vector<32xi32> to vector<32x1xi32>
      %eq3A_39 = arith.constant 0 : i32
      %eq3A_40 = arith.cmpi eq, %arg1, %eq3A_39 : i32
      %convert_element_type3A_41 = arith.extui %eq3A_40 : i1 to i32
      %cond3A_42 = arith.constant 0 : i32
      %cond3A_43 = arith.cmpi ne, %convert_element_type3A_41, %cond3A_42 : i32
      scf.if %cond3A_43 {
        %swap3A_53 = arith.constant 0 : index
        %swap3A_54 = arith.constant 0 : index
        %swap3A_55 = vector.load %arg9[%swap3A_53, %swap3A_54] : memref<32x1xf32, #tpu.memory_space<vmem>>, vector<32x1xf32>
        tpu.vector_store %arg9[%swap3A_53, %swap3A_54], %broadcast_in_dim3A_31 {strides = array<i32>} : memref<32x1xf32, #tpu.memory_space<vmem>>, vector<32x1xf32>,
        %sub3A = vector.broadcast %broadcast_in_dim3A_31 : vector<32x1xf32> to vector<32x5120xf32>
        %sub3A_56 = arith.subf %add3A_23, %sub3A : vector<32x5120xf32>
        %exp3A = math.exp %sub3A_56 : vector<32x5120xf32>
        %jit3A_57 = arith.constant 0.000000e+00 : f32
        %broadcast_in_dim3A_58 = vector.broadcast %jit3A_57 : f32 to vector<32x5120xf32>
        %select_n3A_59 = arith.select %lt3A_29, %exp3A, %broadcast_in_dim3A_58 : vector<32x5120xi1>, vector<32x5120xf32>
        %reduce_sum3A = arith.constant dense<0.000000e+00> : vector<32xf32>
        %reduce_sum3A_60 = vector.multi_reduction <add>, %select_n3A_59, %reduce_sum3A [1] : vector<32x5120xf32> to vector<32xf32>
        %broadcast_in_dim3A_61 = vector.shape_cast %reduce_sum3A_60 : vector<32xf32> to vector<32x1xf32>
        %swap3A_62 = arith.constant 0 : index
        %swap3A_63 = arith.constant 0 : index
        %swap3A_64 = vector.load %arg10[%swap3A_62, %swap3A_63] : memref<32x1xf32, #tpu.memory_space<vmem>>, vector<32x1xf32>
        tpu.vector_store %arg10[%swap3A_62, %swap3A_63], %broadcast_in_dim3A_61 {strides = array<i32>} : memref<32x1xf32, #tpu.memory_space<vmem>>, vector<32x1xf32>,
        %swap3A_65 = arith.constant 0 : index
        %swap3A_66 = arith.constant 0 : index
        %swap3A_67 = vector.load %arg11[%swap3A_65, %swap3A_66] : memref<32x1xi32, #tpu.memory_space<vmem>>, vector<32x1xi32>
        tpu.vector_store %arg11[%swap3A_65, %swap3A_66], %broadcast_in_dim3A_38 {strides = array<i32>} : memref<32x1xi32, #tpu.memory_space<vmem>>, vector<32x1xi32>,
      } else {
      }
      %gt3A = arith.constant 0 : i32
      %gt3A_44 = arith.cmpi sgt, %arg1, %gt3A : i32
      %convert_element_type3A_45 = arith.extui %gt3A_44 : i1 to i32
      %cond3A_46 = arith.constant 0 : i32
      %cond3A_47 = arith.cmpi ne, %convert_element_type3A_45, %cond3A_46 : i32
      scf.if %cond3A_47 {
        %get3A_53 = arith.constant 0 : index
        %get3A_54 = arith.constant 0 : index
        %get3A_55 = vector.load %arg9[%get3A_53, %get3A_54] : memref<32x1xf32, #tpu.memory_space<vmem>>, vector<32x1xf32>
        %max3A = arith.maximumf %get3A_55, %broadcast_in_dim3A_31 : vector<32x1xf32>
        %get3A_56 = arith.constant 0 : index
        %get3A_57 = arith.constant 0 : index
        %get3A_58 = vector.load %arg10[%get3A_56, %get3A_57] : memref<32x1xf32, #tpu.memory_space<vmem>>, vector<32x1xf32>
        %sub3A = arith.subf %get3A_55, %max3A : vector<32x1xf32>
        %exp3A = math.exp %sub3A : vector<32x1xf32>
        %mul3A_59 = arith.mulf %get3A_58, %exp3A : vector<32x1xf32>
        %sub3A_60 = vector.broadcast %max3A : vector<32x1xf32> to vector<32x5120xf32>
        %sub3A_61 = arith.subf %add3A_23, %sub3A_60 : vector<32x5120xf32>
        %exp3A_62 = math.exp %sub3A_61 : vector<32x5120xf32>
        %jit3A_63 = arith.constant 0.000000e+00 : f32
        %broadcast_in_dim3A_64 = vector.broadcast %jit3A_63 : f32 to vector<32x5120xf32>
        %select_n3A_65 = arith.select %lt3A_29, %exp3A_62, %broadcast_in_dim3A_64 : vector<32x5120xi1>, vector<32x5120xf32>
        %reduce_sum3A = arith.constant dense<0.000000e+00> : vector<32xf32>
        %reduce_sum3A_66 = vector.multi_reduction <add>, %select_n3A_65, %reduce_sum3A [1] : vector<32x5120xf32> to vector<32xf32>
        %broadcast_in_dim3A_67 = vector.shape_cast %reduce_sum3A_66 : vector<32xf32> to vector<32x1xf32>
        %add3A_68 = arith.addf %mul3A_59, %broadcast_in_dim3A_67 : vector<32x1xf32>
        %swap3A_69 = arith.constant 0 : index
        %swap3A_70 = arith.constant 0 : index
        %swap3A_71 = vector.load %arg10[%swap3A_69, %swap3A_70] : memref<32x1xf32, #tpu.memory_space<vmem>>, vector<32x1xf32>
        tpu.vector_store %arg10[%swap3A_69, %swap3A_70], %add3A_68 {strides = array<i32>} : memref<32x1xf32, #tpu.memory_space<vmem>>, vector<32x1xf32>,
        %gt3A_72 = arith.cmpf ogt, %broadcast_in_dim3A_31, %get3A_55 : vector<32x1xf32>
        %get3A_73 = arith.constant 0 : index
        %get3A_74 = arith.constant 0 : index
        %get3A_75 = vector.load %arg11[%get3A_73, %get3A_74] : memref<32x1xi32, #tpu.memory_space<vmem>>, vector<32x1xi32>
        %select_n3A_76 = arith.select %gt3A_72, %broadcast_in_dim3A_38, %get3A_75 : vector<32x1xi1>, vector<32x1xi32>
        %swap3A_77 = arith.constant 0 : index
        %swap3A_78 = arith.constant 0 : index
        %swap3A_79 = vector.load %arg11[%swap3A_77, %swap3A_78] : memref<32x1xi32, #tpu.memory_space<vmem>>, vector<32x1xi32>
        tpu.vector_store %arg11[%swap3A_77, %swap3A_78], %select_n3A_76 {strides = array<i32>} : memref<32x1xi32, #tpu.memory_space<vmem>>, vector<32x1xi32>,
        %swap3A_80 = arith.constant 0 : index
        %swap3A_81 = arith.constant 0 : index
        %swap3A_82 = vector.load %arg9[%swap3A_80, %swap3A_81] : memref<32x1xf32, #tpu.memory_space<vmem>>, vector<32x1xf32>
        tpu.vector_store %arg9[%swap3A_80, %swap3A_81], %max3A {strides = array<i32>} : memref<32x1xf32, #tpu.memory_space<vmem>>, vector<32x1xf32>,
      } else {
      }
      %eq3A_48 = arith.constant 19 : i32
      %eq3A_49 = arith.cmpi eq, %arg1, %eq3A_48 : i32
      %convert_element_type3A_50 = arith.extui %eq3A_49 : i1 to i32
      %cond3A_51 = arith.constant 0 : i32
      %cond3A_52 = arith.cmpi ne, %convert_element_type3A_50, %cond3A_51 : i32
      scf.if %cond3A_52 {
        %get3A_53 = arith.constant 0 : index
        %get3A_54 = arith.constant 0 : index
        %get3A_55 = vector.load %arg9[%get3A_53, %get3A_54] : memref<32x1xf32, #tpu.memory_space<vmem>>, vector<32x1xf32>
        %swap3A_56 = arith.constant 0 : index
        %swap3A_57 = arith.constant 0 : index
        %swap3A_58 = vector.load %arg6[%swap3A_56, %swap3A_57] : memref<32x1xf32, #tpu.memory_space<vmem>>, vector<32x1xf32>
        tpu.vector_store %arg6[%swap3A_56, %swap3A_57], %get3A_55 {strides = array<i32>} : memref<32x1xf32, #tpu.memory_space<vmem>>, vector<32x1xf32>,
        %get3A_59 = arith.constant 0 : index
        %get3A_60 = arith.constant 0 : index
        %get3A_61 = vector.load %arg11[%get3A_59, %get3A_60] : memref<32x1xi32, #tpu.memory_space<vmem>>, vector<32x1xi32>
        %broadcast_in_dim3A_62 = vector.shape_cast %get3A_61 : vector<32x1xi32> to vector<32x1xi32>
        %broadcast_in_dim3A_63 = vector.broadcast %broadcast_in_dim3A_62 : vector<32x1xi32> to vector<32x128xi32>
        %swap3A_64 = arith.constant 0 : index
        %swap3A_65 = arith.constant 0 : index
        %swap3A_66 = vector.load %arg7[%swap3A_64, %swap3A_65] : memref<32x128xi32, #tpu.memory_space<vmem>>, vector<32x128xi32>
        tpu.vector_store %arg7[%swap3A_64, %swap3A_65], %broadcast_in_dim3A_63 {strides = array<i32>} : memref<32x128xi32, #tpu.memory_space<vmem>>, vector<32x128xi32>,
      } else {
      }
    } else {
    }
    %eq3A_3 = arith.constant 1 : i32
    %eq3A_4 = arith.cmpi eq, %arg0, %eq3A_3 : i32
    %convert_element_type3A_5 = arith.extui %eq3A_4 : i1 to i32
    %cond3A_6 = arith.constant 0 : i32
    %cond3A_7 = arith.cmpi ne, %convert_element_type3A_5, %cond3A_6 : i32
    scf.if %cond3A_7 {
      %get3A = arith.constant 0 : index
      %get3A_8 = arith.constant 0 : index
      %get3A_9 = vector.load %arg9[%get3A, %get3A_8] : memref<32x1xf32, #tpu.memory_space<vmem>>, vector<32x1xf32>
      %get3A_10 = arith.constant 0 : index
      %get3A_11 = arith.constant 0 : index
      %get3A_12 = vector.load %arg10[%get3A_10, %get3A_11] : memref<32x1xf32, #tpu.memory_space<vmem>>, vector<32x1xf32>
      %log3A = math.log %get3A_12 : vector<32x1xf32>
      %add3A = arith.addf %get3A_9, %log3A : vector<32x1xf32>
      %get3A_13 = arith.constant 0 : index
      %get3A_14 = arith.index_cast %multiple_of3A : i32 to index
      %get3A_15 = vector.load %arg8[%get3A_13, %get3A_14] : memref<32x102400xf32, #tpu.memory_space<vmem>>, vector<32x5120xf32>
      %sub3A = vector.broadcast %add3A : vector<32x1xf32> to vector<32x5120xf32>
      %sub3A_16 = arith.subf %get3A_15, %sub3A : vector<32x5120xf32>
      %swap3A = arith.constant 0 : index
      %swap3A_17 = arith.constant 0 : index
      %swap3A_18 = vector.load %arg5[%swap3A, %swap3A_17] : memref<32x5120xf32, #tpu.memory_space<vmem>>, vector<32x5120xf32>
      tpu.vector_store %arg5[%swap3A, %swap3A_17], %sub3A_16 {strides = array<i32>} : memref<32x5120xf32, #tpu.memory_space<vmem>>, vector<32x5120xf32>,
    } else {
    }
    return
  }
  func.func @transform_0(%arg0: i32, %arg1: i32) -> (i32, i32) {
    %eq3A = arith.constant 0 : i32
    %eq3A_0 = arith.cmpi eq, %arg0, %eq3A : i32
    %jit3A = arith.constant 0 : i32
    %select_n3A = arith.select %eq3A_0, %arg1, %jit3A : i32
    %c0_i32 = arith.constant 0 : i32
    %c0_i32_1 = arith.constant 0 : i32
    return %c0_i32, %select_n3A : i32, i32
  }
  func.func @transform_1(%arg0: i32, %arg1: i32) -> (i32, i32) {
    %eq3A = arith.constant 0 : i32
    %eq3A_0 = arith.cmpi eq, %arg0, %eq3A : i32
    %jit3A = arith.constant 0 : i32
    %select_n3A = arith.select %eq3A_0, %arg1, %jit3A : i32
    %c0_i32 = arith.constant 0 : i32
    %c0_i32_1 = arith.constant 0 : i32
    return %c0_i32, %select_n3A : i32, i32
  }
  func.func @transform_2(%arg0: i32, %arg1: i32) -> (i32, i32) {
    %eq3A = arith.constant 0 : i32
    %eq3A_0 = arith.cmpi eq, %arg0, %eq3A : i32
    %jit3A = arith.constant 0 : i32
    %select_n3A = arith.select %eq3A_0, %arg1, %jit3A : i32
    %c0_i32 = arith.constant 0 : i32
    %c0_i32_1 = arith.constant 0 : i32
    return %c0_i32, %select_n3A : i32, i32
  }
  func.func @transform_3(%arg0: i32, %arg1: i32) -> (i32, i32) {
    %eq3A = arith.constant 0 : i32
    %eq3A_0 = arith.cmpi eq, %arg0, %eq3A : i32
    %jit3A = arith.constant 0 : i32
    %select_n3A = arith.select %eq3A_0, %jit3A, %arg1 : i32
    %c0_i32 = arith.constant 0 : i32
    %c0_i32_1 = arith.constant 0 : i32
    return %c0_i32, %select_n3A : i32, i32
  }
  func.func @transform_4(%arg0: i32, %arg1: i32) -> (i32, i32) {
    %c0_i32 = arith.constant 0 : i32
    %c0_i32_0 = arith.constant 0 : i32
    %c0_i32_1 = arith.constant 0 : i32
    return %c0_i32, %c0_i32_0 : i32, i32
  }
  func.func @transform_5(%arg0: i32, %arg1: i32) -> (i32, i32) {
    %c0_i32 = arith.constant 0 : i32
    %c0_i32_0 = arith.constant 0 : i32
    %c0_i32_1 = arith.constant 0 : i32
    return %c0_i32, %c0_i32_0 : i32, i32
  }
}

</mosaic_0001>

<sc_bundles>
// kernel: kernel.4.cloned.1.call-start
scs
__scs_entry_jumppad:
0x0: {  	(pc) =	sbr.rel $0x88, $3  }
0x1: {  	(tag) =	ssettag $0x0;
	lr =	simm.s32 $0x1  }
0x2: {  	[smem:$0x3F9D] =	sst lr;
	_ =	strace $0xD0000000  }
0x3: {  	_ = 	snop  }
0x4: {  	_ = 	snop  }
0x5: {  	_ = 	snop  }
0x6: {  	_ = 	snop  }
0x7: {  	_ = 	snop  }
__scs_overlays_trampoline_lowered:
0x8: {  	[smem:$0x3FAC] =	sst s0  }
0x9: {  	[smem:$0x3FAD] =	sst s1  }
0xa: {  	[smem:$0x3FAE] =	sst s2  }
0xb: {  	[smem:$0x3FAF] =	sst s3  }
0xc: {  	[smem:$0x3FB0] =	sst s4  }
0xd: {  	[smem:$0x3FB1] =	sst s5  }
0xe: {  	[smem:$0x3FB2] =	sst s6  }
0xf: {  	[smem:$0x3FB3] =	sst s7  }
0x10: {  	[smem:$0x3FB4] =	sst s8  }
0x11: {  	[smem:$0x3FB5] =	sst s9;
	s0 =	simm.s32 @!p0 $0x0  }
0x12: {  	s1 =	sld [smem:$0x3F9B];
	s0 =	simm.s32 @p0 $0x1  }
0x13: {  	[smem:$0x3FB6] =	sst s0;
	s0 =	simm.s32 @!p1 $0x0  }
0x14: {  	s2 =	sld [smem:$0x3F9A];
	s0 =	simm.s32 @p1 $0x1  }
0x15: {  	[smem:$0x3FB7] =	sst s0;
	s0 =	simm.s32 @!p2 $0x0  }
0x16: {  	s3 =	sld [smem:$0x3FDB];
	s0 =	simm.s32 @p2 $0x1  }
0x17: {  	s4 =	simm.s32 $0x1BF5;
	[smem:$0x3FB9] =	sst s0  }
0x18: {  	s0 =	sld [smem:$0x3F9C];
	_ =	swait.ge [sflag:s4], $0x0  }
0x19: {  	s7 =	sld [smem:$0x3F9D]  }
0x1a: {  	s8 =	sadd.s32 $0xFFFFE003, lr  }
0x1b: {  	s9 =	sadd.s32 $0xFFFFFEF7, lr;
	s5 =	simm.s32 $0xFFFFFFFF;
	p2 =	slt.u32 s8, $0xFFFFF086  }
0x1c: {  	p1 =	slt.u32 s9, $0xF7A;
	s5 =	simm.s32 @!p2 $0x0  }
0x1d: {  	s5 =	simm.s32 @p1 $0x1;
	p0 =	seq.s32 s7, s2  }
0x1e: {  	s7 =	smul.u32 @!p0 $0xF7A, s2;
	p2 =	seq.s32 @!p0 s5, $0x0  }
0x1f: {  	s9 =	smul.u32 $0xF7A, s1;
	s8 =	simm.s32 @!p0 $0x1BF5;
	p2 =	por !p2, p0  }
0x20: {  	[sflag:s8] =	ssyncset.s32 @!p0 $0xFFFFF086;
	s6 =	sadd.s32 @!p0 s3, s7;
	s7 =	simm.s32 @!p0 $0x108  }
0x21: {  	s3 =	sadd.s32 s3, s9;
	s6 =	sadd.s32 @!p0 $0x88, s6;
	s7 =	simm.s32 @p2 $0x1082  }
0x22: {  	[simem:s7], [sflag:s8] =	dma.local @!p0 [hbm:s6], $0xF7A  }
0x23: {  	s9 =	sor.u32 $0xD0000000, s2;
	s6 =	simm.s32 $0x108;
	_ =	swait.ge @!p0 [sflag:s8], $0x0  }
0x24: {  	s3 =	sadd.s32 $0x88, s3;
	s6 =	simm.s32 @!p1 $0x1082;
	[sflag:s4] =	ssyncset.s32 $0xFFFFF086  }
0x25: {  	[simem:s6], [sflag:s4] =	dma.local [hbm:s3], $0xF7A  }
0x26: {  	[smem:$0x3F9D] =	sst s1;
	(tag) =	ssettag s2;
	_ =	strace s9  }
0x27: {  	s1 =	sld [smem:$0x3FAD]  }
0x28: {  	s2 =	sld [smem:$0x3FAE]  }
0x29: {  	s4 =	sld [smem:$0x3FB0]  }
0x2a: {  	p0 =	seq.s32 s5, $0x0;
	s5 =	sld [smem:$0x3FB1]  }
0x2b: {  	s6 =	sld [smem:$0x3FB2]  }
0x2c: {  	s7 =	sld [smem:$0x3FB3]  }
0x2d: {  	s3 =	simm.s32 $0x108;
	s8 =	sld [smem:$0x3FB4]  }
0x2e: {  	s3 =	simm.s32 @!p0 $0x1082;
	s9 =	sld [smem:$0x3FB5]  }
0x2f: {  	lr =	sadd.s32 s0, s3;
	s0 =	sld [smem:$0x3FAC]  }
0x30: {  	s3 =	sld [smem:$0x3FAF]  }
0x31: {  	[smem:$0x3FB8] =	sst s10  }
0x32: {  	s10 =	sld [smem:$0x3FB6];
	_ =	sdelay $0x3  }
0x33: {  	p0 =	seq.s32 s10, $0x1;
	s10 =	sld [smem:$0x3FB8];
	_ =	sdelay $0x3  }
0x34: {  	[smem:$0x3FB8] =	sst s10  }
0x35: {  	s10 =	sld [smem:$0x3FB7];
	_ =	sdelay $0x3  }
0x36: {  	p1 =	seq.s32 s10, $0x1;
	s10 =	sld [smem:$0x3FB8];
	_ =	sdelay $0x3  }
0x37: {  	[smem:$0x3FB8] =	sst s10  }
0x38: {  	s10 =	sld [smem:$0x3FB9]  }
0x39: {  	_ = 	snop;
	(pc) =	sbr.ind lr, $3  }
0x3a: {  	_ = 	snop  }
0x3b: {  	_ = 	snop  }
0x3c: {  	p2 =	seq.s32 s10, $0x1;
	s10 =	sld [smem:$0x3FB8]  }
0x3d: {  	_ =	shalt  }
0x3e: {  	_ =	shalt  }
0x3f: {  	_ =	shalt  }
0x40: {  	_ =	shalt  }
0x41: {  	_ =	shalt  }
0x42: {  	_ =	shalt  }
0x43: {  	_ =	shalt  }
0x44: {  	_ =	shalt  }
0x45: {  	_ =	shalt  }
0x46: {  	_ =	shalt  }
0x47: {  	_ =	shalt  }
0x48: {  	_ =	shalt  }
0x49: {  	_ =	shalt  }
0x4a: {  	_ =	shalt  }
0x4b: {  	_ =	shalt  }
0x4c: {  	_ =	shalt  }
0x4d: {  	_ =	shalt  }
0x4e: {  	_ =	shalt  }
0x4f: {  	_ =	shalt  }
0x50: {  	_ =	shalt  }
0x51: {  	_ =	shalt  }
0x52: {  	_ =	shalt  }
0x53: {  	_ =	shalt  }
0x54: {  	_ =	shalt  }
0x55: {  	_ =	shalt  }
0x56: {  	_ =	shalt  }
0x57: {  	_ =	shalt  }
0x58: {  	_ =	shalt  }
0x59: {  	_ =	shalt  }
0x5a: {  	_ =	shalt  }
0x5b: {  	_ =	shalt  }
0x5c: {  	_ =	shalt  }
0x5d: {  	_ =	shalt  }
0x5e: {  	_ =	shalt  }
0x5f: {  	_ =	shalt  }
0x60: {  	_ =	shalt  }
0x61: {  	_ =	shalt  }
0x62: {  	_ =	shalt  }
0x63: {  	_ =	shalt  }
0x64: {  	_ =	shalt  }
0x65: {  	_ =	shalt  }
0x66: {  	_ =	shalt  }
0x67: {  	_ =	shalt  }
0x68: {  	_ =	shalt  }
0x69: {  	_ =	shalt  }
0x6a: {  	_ =	shalt  }
0x6b: {  	_ =	shalt  }
0x6c: {  	_ =	shalt  }
0x6d: {  	_ =	shalt  }
0x6e: {  	_ =	shalt  }
0x6f: {  	_ =	shalt  }
0x70: {  	_ =	shalt  }
0x71: {  	_ =	shalt  }
0x72: {  	_ =	shalt  }
0x73: {  	_ =	shalt  }
0x74: {  	_ =	shalt  }
0x75: {  	_ =	shalt  }
0x76: {  	_ =	shalt  }
0x77: {  	_ =	shalt  }
0x78: {  	_ =	shalt  }
0x79: {  	_ =	shalt  }
0x7a: {  	_ =	shalt  }
0x7b: {  	_ =	shalt  }
0x7c: {  	_ =	shalt  }
0x7d: {  	_ =	shalt  }
0x7e: {  	_ =	shalt  }
0x7f: {  	_ =	shalt  }
0x80: {  	_ =	shalt  }
0x81: {  	_ =	shalt  }
0x82: {  	_ =	shalt  }
0x83: {  	_ =	shalt  }
0x84: {  	_ =	shalt  }
0x85: {  	_ =	shalt  }
0x86: {  	_ =	shalt  }
0x87: {  	_ =	shalt  }
.Lfunc_end0:
.L_simem_size_0:
called_computation_lowered:
.L_overlay_start_0:
0x88: {  	s2 =	sld [smem:$0x3FD9]  }
0x89: {  	s3 =	sld [smem:$0x3FFE];
	_ =	sdelay $0x1  }
0x8a: {  	s1 =	srdreg.scid  }
0x8b: {  	s0 =	sand.u32 $0x1, s1  }
0x8c: {  	s16 =	sshll.u32 s0, $0xA;
	s2 =	sadd.s32 s3, s2  }
0x8d: {  	s2 =	sadd.s32 s2, s16  }
0x8e: {  	[smem:$0x3FC4] =	sst s2  }
0x8f: {  	_ = 	snop  }
0x90: {  	(tm) =	ssettm $0x1  }
0x91: {  	s17 =	sld [smem:$0x3FFB];
	_ =	sdelay $0x3  }
0x92: {  	_ =	strace s17  }
0x93: {  	s2 =	sld [smem:$0x3FFC];
	_ =	sdelay $0x3  }
0x94: {  	_ =	strace s2  }
0x95: {  	s2 =	sld [smem:$0x3FFD];
	_ =	sdelay $0x3  }
0x96: {  	_ =	strace s2  }
0x97: {  	_ =	strace $0x8FFFFFFF  }
0x98: {  	s18 =	sld [smem:$0x3FDB];
	_ =	sdelay $0x1  }
0x99: {  	s19 =	simm.s32 $_scs_section_size  }
0x9a: {  	s4 =	simm.s32 $_size__tile_overlayer_lowered;
	s5 =	simm.s32 $_tile_overlayer_lowered  }
0x9b: {  	s22 =	simm.s32 $0x1BFF;
	s21 =	sshll.u32 s5, $0x1;
	s2 =	sadd.s32 s19, s18  }
0x9c: {  	s6 =	simm.s32 $0x0;
	s20 =	sshll.u32 s4, $0x1;
	s4 =	sadd.s32 s21, s2  }
0x9d: {  	[timem:s6], [sflag:s22] =	dma.local [hbm:s4], s20  }
0x9e: {  	_ =	swait.ge [sflag:s22], s20  }
0x9f: {  	s3 =	ssub.s32 $0x0, s20;
	[sflag:s22] =	ssyncset.done $0x0  }
0xa0: {  	[sflag:s22] =	ssyncadd.s32 s3;
	_ =	sdelay $0x1  }
0xa1: {  	s23 =	simm.s32 $0x1B8B  }
0xa2: {  	_ =	swait.ge [sflag:s23], $0x1  }
0xa3: {  	[sflag:s23] =	ssyncset.done $0x0  }
0xa4: {  	s25 =	simm.s32 $0x1B8E;
	s24 =	sld [smem:$0x3FFE];
	[sflag:s23] =	ssyncadd.s32 $0xFFFFFFFF  }
0xa5: {  	s26 =	simm.s32 $execute0_lowered;
	[smem:$0x3FD2] =	sst s25  }
0xa6: {  	s4 =	sshll.u32 s26, $0x1;
	_ =	strace $0x80000046;
	[dreg:$0x1] =	wrdreg $0xFFFFFFFF  }
0xa7: {  	s28 =	simm.s32 $_size_execute0_lowered;
	s2 =	sadd.s32 s2, s4;
	[dreg:$0x0] =	wrdreg $0x0  }
0xa8: {  	s4 =	sshll.u32 s28, $0x1;
	[dreg:$0x2] =	wrdreg s2  }
0xa9: {  	[dreg:$0x3] =	wrdreg s4  }
0xaa: {  	[dreg:$0x4] =	wrdreg $0xC0  }
0xab: {  	_ =	task [dreg:s6], $0x5FFFF  }
0xac: {  	[dreg:$0x1] =	wrdreg $0xFFFFFFFF  }
0xad: {  	[dreg:$0x0] =	wrdreg $0x60  }
0xae: {  	[dreg:$0x2] =	wrdreg s24  }
0xaf: {  	[dreg:$0x3] =	wrdreg $0x9  }
0xb0: {  	_ =	task.clear_ibuf [dreg:s6], $0x4FFFF;
	_ =	strace $0x90000046  }
0xb1: {  	s29 =	simm.s32 $0x9;
	_ =	strace $0x80000048  }
0xb2: {  	_ =	swait.ge [sflag:s29], $0x1  }
0xb3: {  	[sflag:s29] =	ssyncadd.s32 $0xFFFFFFFF  }
0xb4: {  	_ =	strace $0x90000048  }
0xb5: {  	_ =	sfence  }
0xb6: {  	s30 =	sld [smem:$0x0];
	_ =	sdelay $0x2  }
0xb7: {  	s31 =	sshll.u32 s1, $0xD;
	s1 =	sshrl.u32 s1, $0x2  }
0xb8: {  	s3 =	sand.u32 $0x4000, s31;
	s1 =	sadd.s32 s1, s30  }
0xb9: {  	s0 =	sor.u32 s3, s0;
	s1 =	sshll.u32 s1, $0x11  }
0xba: {  	s0 =	sor.u32 s1, s0  }
0xbb: {  	s0 =	sadd.s32 $0x8F2B, s0  }
0xbc: {  	[sflag:s0] =	ssyncadd.remote.s32 $0x1  }
0xbd: {  	_ =	sfence.sel $0xFFFF  }
0xbe: {  	[dreg:$0x0] =	wrdreg $0xFFFFFFFF;
	(pc) =	sbr.abs _section_cstart, $3  }
0xbf: {  	[dreg:$0x1] =	wrdreg $0xFFFFFFFF  }
0xc0: {  	_ =	task.clear_ibuf [dreg:s6], $0x2FFFF;
	_ =	strace $0x9FFFFFFF  }
0xc1: {  	(tm) =	ssettm $0x7FFFFFFF  }
tec
execute0_lowered:
.L_overlay_start_1:
0x0: {  	(tag) =	ssettag $0x1  }
0x1: {  	s1 =	srdreg.scid;
	s0 =	stileid.u32  }
0x2: {  	s9 =	sand.u32 $0x1, s1;
	s31 =	sshll.u32 s0, $0x1  }
0x3: {  	s6 =	rddreg [dreg:$0x0];
	s5 =	sor.u32 s9, s31  }
0x4: {  	s2 =	simm.s32 $0x0;
	s1 =	rddreg [dreg:$0x1];
	s3 =	sshll.u32 s5, $0x4  }
0x5: {  	[smem:$0x7FF] =	sst s2;
	s10 =	sadd.s32 s3, s6  }
0x6: {  	_ =	strace $0x80000047;
	s3 =	simm.s32 $0x2;
	s4 =	sadd.s32 $0x600, s10  }
0x7: {  	[tilespmem:s2], [sflag:$0x2] =	stream.linear.gather [hbm4b:s4+s2], $0x80, $0x38;
	[tilespmem:$0x200] =	vst v63  }
0x8: {  	_ =	swait.ge [sflag:s3], $0x80  }
0x9: {  	[sflag:s3] =	ssyncset.done $0x0  }
0xa: {  	[sflag:s3] =	ssyncadd.s32 $0xFFFFFF80  }
0xb: {  	v2 =	vld [tilespmem:$0x0];
	_ =	sdelay $0x1  }
0xc: {  	v0 =	vlaneseq.u32  }
0xd: {  	s5 =	smul.u32 $0x186A, s5;
	_ =	sdelay $0x1  }
0xe: {  	v1 =	vmov s5;
	v3 =	vshrl.u32 v2, $0x4;
	v2 =	vshll.u32 v2, $0x3  }
0xf: {  	s5 =	simm.s32 $0x80;
	v3 =	vadd.s32 v1, v3;
	v2 =	vand.u32 $0x78, v2  }
0x10: {  	s7 =	simm.s32 $0x1;
	s8 =	simm.s32 $0x100;
	s6 =	sadd.s32 $0x30D4600, s6;
	[tilespmem:v0+s5+$0x0] =	vst.idx.msk $0x1, v3;
	v2 =	vadd.s32 v0, v2  }
0x11: {  	[tilespmem:s8], [sflag:$0x1] =	stream.indirect.gather [hbm4b:s6+s7], $0x80, s5, s7, $0xb8;
	[tilespmem:$0x200] =	vst v63  }
0x12: {  	_ =	swait.ge [sflag:s7], $0x80  }
0x13: {  	[sflag:s7] =	ssyncset.done $0x0  }
0x14: {  	s9 =	ssub.s32 $0x2, s9;
	[sflag:s7] =	ssyncadd.s32 $0xFFFFFF80  }
0x15: {  	s11 =	sshrl.u32 s9, $0x1;
	v2 =	vld.idx.msk [tilespmem:v2+s8+$0x0], $0xffff  }
0x16: {  	s11 =	ssub.s32 s9, s11  }
0x17: {  	s11 =	smax.u32 s11, $0x1  }
0x18: {  	p0 =	sne.s32 s11, $0x1  }
.Ltmp0:
0x19: {  	s9 =	simm.s32 $0x180;
	(pc) =	sbr.rel @!p0 .LBB2_2-.Ltmp0, $4  }
0x1a: {  	s10 =	sadd.s32 $0x800, s10;
	[tilespmem:v0+s9+$0x0] =	vst.idx.msk $0xff, v2  }
0x1b: {  	[hbm4b:s10+s2] =	stream.linear.scatter [tilespmem:s9], [sflag:$0x2], $0x80, $0x38;
	[tilespmem:$0x200] =	vst v63  }
0x1c: {  	_ =	swait.ge [sflag:s3], $0x80  }
0x1d: {  	s11 =	sadd.s32 $0xFFFFFFFF, s11;
	[sflag:s3] =	ssyncset.done $0x0  }
.LBB2_1:
0x1e: {  	p0 =	sne.s32 s11, $0x1;
	s11 =	sadd.s32 $0xFFFFFFFF, s11;
	[sflag:s3] =	ssyncadd.s32 $0xFFFFFF80  }
0x1f: {  	[tilespmem:s2], [sflag:$0x2] =	stream.linear.gather [hbm4b:s4+s2], $0x80, $0x38;
	[tilespmem:$0x200] =	vst v63  }
0x20: {  	_ =	swait.ge [sflag:s3], $0x80  }
0x21: {  	[sflag:s3] =	ssyncset.done $0x0  }
0x22: {  	[sflag:s3] =	ssyncadd.s32 $0xFFFFFF80  }
0x23: {  	v2 =	vld [tilespmem:$0x0];
	_ =	sdelay $0x4  }
0x24: {  	v3 =	vshrl.u32 v2, $0x4;
	v2 =	vshll.u32 v2, $0x3  }
0x25: {  	v3 =	vadd.s32 v1, v3;
	v2 =	vand.u32 $0x78, v2  }
0x26: {  	[tilespmem:v0+s5+$0x0] =	vst.idx.msk $0x1, v3;
	v2 =	vadd.s32 v0, v2  }
0x27: {  	[tilespmem:s8], [sflag:$0x1] =	stream.indirect.gather [hbm4b:s6+s7], $0x80, s5, s7, $0xb8;
	[tilespmem:$0x200] =	vst v63  }
0x28: {  	_ =	swait.ge [sflag:s7], $0x80  }
0x29: {  	[sflag:s7] =	ssyncset.done $0x0  }
0x2a: {  	[sflag:s7] =	ssyncadd.s32 $0xFFFFFF80  }
0x2b: {  	v2 =	vld.idx.msk [tilespmem:v2+s8+$0x0], $0xffff;
	_ =	sdelay $0x4  }
.Ltmp1:
0x2c: {  	(pc) =	sbr.rel @p0 .LBB2_1-.Ltmp1, $4  }
0x2d: {  	[tilespmem:v0+s9+$0x0] =	vst.idx.msk $0xff, v2  }
0x2e: {  	[hbm4b:s10+s2] =	stream.linear.scatter [tilespmem:s9], [sflag:$0x2], $0x80, $0x38;
	[tilespmem:$0x200] =	vst v63  }
0x2f: {  	_ =	swait.ge [sflag:s3], $0x80  }
0x30: {  	[sflag:s3] =	ssyncset.done $0x0  }
.LBB2_2:
0x31: {  	[sflag:s3] =	ssyncadd.s32 $0xFFFFFF80  }
0x32: {  	_ =	sfence.sel $0x180000  }
0x33: {  	[bflag:$0x0] =	sbarrier.arrive $0xFFFF  }
0x34: {  	p0 =	sne.s32 s0, $0x0;
	_ =	strace $0x90000047  }
0x35: {  	s0 =	sadd.s32 @!p0 $0x100000, s1;
	[bflag:$0x2] =	sbarrier.arrive $0xFFFF  }
0x36: {  	[sflag:s0] =	ssyncadd.tile.s32 @!p0 $0x1;
	_ =	shalt  }
.Lfunc_end2:
_tile_overlayer_lowered:
.L_overlay_start_2:
0x37: {  	(tag) =	ssettag $0x2  }
0x38: {  	s0 =	rddreg [dreg:$0x0];
	s2 =	stileid.u32  }
0x39: {  	s1 =	rddreg [dreg:$0x1];
	p0 =	sne.s32 s2, $0x0  }
0x3a: {  	s3 =	rddreg [dreg:$0x2];
	[bflag:$0x3] =	sbarrier.arrive $0xFFFF;
	s2 =	simm.s32 @!p0 $0x1C02  }
0x3b: {  	[timem:s3], [sflag:s2] =	dma.local @!p0 [hbm:s0], s1  }
0x3c: {  	s0 =	simm.s32 @!p0 $0x2  }
0x3d: {  	_ =	swait.ge @!p0 [sflag:s0], s1  }
0x3e: {  	s1 =	ssub.s32 @!p0 $0x0, s1;
	[sflag:s0] =	ssyncset.done @!p0 $0x0  }
0x3f: {  	[sflag:s0] =	ssyncadd.s32 @!p0 s1  }
0x40: {  	[bflag:$0x3] =	sbarrier.arrive $0xFFFF  }
0x41: {  	_ =	shalt  }

</sc_bundles>
